<compile_context>
chip_gen: v7x
topology: tpu7x:2x2x1
jax: 0.10.2.dev20260603
libtpu: 0.0.44.dev20260713+nightly
codegen_flags: <defaults>
</compile_context>

<pallas_src>
import functools

import jax
import jax.numpy as jnp
from jax import lax
from jax.experimental import pallas as pl
from jax.experimental.pallas import tpu as pltpu
from jax.experimental.pallas import tpu_sc as plsc

B, T, D = 4, 2048, 128
N = B * T
NC, NS = 2, 16
NW = NC * NS
TW = T // NW
LG = D // 16
HB = B // 2

mesh = plsc.VectorSubcoreMesh(core_axis_name="c", subcore_axis_name="s")


@functools.partial(
    pl.kernel,
    mesh=mesh,
    out_type=jax.ShapeDtypeStruct((N, D), jnp.float32),
    scratch_types=[
        pltpu.VMEM((2, HB * TW), jnp.int32),
        pltpu.VMEM((B * TW, D), jnp.float32),
        pltpu.VMEM((TW, D), jnp.float32),
        pltpu.SemaphoreType.DMA,
        pltpu.SemaphoreType.DMA,
        pltpu.SemaphoreType.DMA,
        pltpu.SemaphoreType.DMA,
        pltpu.SemaphoreType.DMA,
    ],
)
def _emb_kernel(xr_hbm, tok_hbm, pos_hbm, out_hbm, idx_v, rows_v, pos_v,
                sem_i, sem_p, sem_g0, sem_g1, sem_w):
    sem_g = [sem_g0, sem_g1]
    wid = lax.axis_index("s") * NC + lax.axis_index("c")
    tbase = wid * TW

    cp_i = pltpu.async_copy(xr_hbm.at[wid], idx_v, sem_i)
    cp_pos = pltpu.async_copy(pos_hbm.at[pl.ds(tbase, TW)], pos_v, sem_p)
    cp_i.wait()

    gcps = [
        pltpu.async_copy(
            tok_hbm.at[idx_v.at[h]],
            rows_v.at[pl.ds(h * HB * TW, HB * TW)],
            sem_g[h],
        )
        for h in range(2)
    ]
    cp_pos.wait()

    gcps[0].wait()
    gcps[1].wait()

    def body(t, carry):
        for g in range(LG):
            sl = pl.ds(g * 16, 16)
            pv = pos_v[t, sl]
            for b in range(B):
                plsc.addupdate(rows_v.at[b * TW + t, sl], pv)
        return carry

    lax.fori_loop(0, TW, body, 0)

    wcps = []
    for b in range(B):
        wcps.append(
            pltpu.async_copy(
                rows_v.at[pl.ds(b * TW, TW)],
                out_hbm.at[pl.ds(b * T + tbase, TW)],
                sem_w,
            )
        )
    for cp in wcps:
        cp.wait()


def kernel(x, tok_emb_table, pos_emb_table):
    xr = x.astype(jnp.int32).reshape(B, NW, TW).transpose(1, 0, 2)
    xr = xr.reshape(NW, 2, HB * TW)
    out = _emb_kernel(xr, tok_emb_table, pos_emb_table)
    return out.reshape(B, T, D)

# --- scband reference (transcript-rebuilt; emitter-appended) ---
"""Pipeline reference for scband-embedding-layer-74912819577055 (READ-ONLY COPY).

The authoritative reference and input builder live on the scoring server;
editing this copy changes nothing except your own understanding.
"""

import jax, jax.numpy as jnp
import numpy as np

VOCAB = 100000
CTX = 2048
NEMB = 128
B, T = 4, 2048

def setup_inputs(seed: int = 0) -> dict:
    key = jax.random.key(seed)
    k1, k2, k3 = jax.random.split(key, 3)
    x = jax.random.randint(k1, (B, T), 0, VOCAB, dtype=jnp.int64 if jax.config.jax_enable_x64 else jnp.int32)
    tok_emb_table = jax.random.normal(k2, (VOCAB, NEMB), dtype=jnp.float32)
    pos_emb_table = jax.random.normal(k3, (CTX, NEMB), dtype=jnp.float32)
    return {"x": x, "tok_emb_table": tok_emb_table, "pos_emb_table": pos_emb_table}

def reference(x, tok_emb_table, pos_emb_table):
    seq_len = x.shape[1]
    tok_emb = jnp.take(tok_emb_table, x, axis=0)            # (B, T, n_emb)
    pos_ids = jnp.arange(seq_len)
    pos_emb = jnp.take(pos_emb_table, pos_ids, axis=0)      # (T, n_emb)
    pos_emb = pos_emb[None, :, :]                           # (1, T, n_emb)
    input_emb = tok_emb + pos_emb
    # dropout is identity in eval mode
    return input_emb

if __name__ == "__main__":
    import jax
    _d = setup_inputs()
    print(jax.jit(kernel)(*tuple(_d.values())))

</pallas_src>

<mosaic_0001>
#map = affine_map<(d0, d1) -> (0, 0, 0)>
#map1 = affine_map<(d0, d1) -> (0, 0)>
module attributes {stable_mosaic.version = 14 : i64} {
  func.func @_emb_kernel(%arg0: i32, %arg1: i32, %arg2: memref<32x2x128xi32, #tpu.memory_space<hbm>>, %arg3: memref<100000x128xf32, #tpu.memory_space<hbm>>, %arg4: memref<2048x128xf32, #tpu.memory_space<hbm>>, %arg5: memref<8192x128xf32, #tpu.memory_space<hbm>>, %arg6: memref<2x128xi32, #tpu.memory_space<vmem>>, %arg7: memref<256x128xf32, #tpu.memory_space<vmem>>, %arg8: memref<64x128xf32, #tpu.memory_space<vmem>>, %arg9: memref<!tpu.dma_semaphore, #tpu.memory_space<semaphore_mem>>, %arg10: memref<!tpu.dma_semaphore, #tpu.memory_space<semaphore_mem>>, %arg11: memref<!tpu.dma_semaphore, #tpu.memory_space<semaphore_mem>>, %arg12: memref<!tpu.dma_semaphore, #tpu.memory_space<semaphore_mem>>, %arg13: memref<!tpu.dma_semaphore, #tpu.memory_space<semaphore_mem>>) attributes {dimension_semantics = [#tpu.dimension_semantics<core_parallel>, #tpu.dimension_semantics<subcore_parallel>], iteration_bounds = array<i64: 2, 16>, scalar_prefetch = 0 : i64, scratch_operands = 8 : i64, tpu.core_type = #tpu.core_type<sc_vector_subcore>, window_params = [{transform_indices = #map}, {transform_indices = #map1}, {transform_indices = #map1}, {transform_indices = #map1}]} {
    %mul3A = arith.constant 2 : i32
    %mul3A_0 = arith.muli %arg1, %mul3A : i32
    %add3A = arith.addi %mul3A_0, %arg0 : i32
    %mul3A_1 = arith.constant 64 : i32
    %mul3A_2 = arith.muli %add3A, %mul3A_1 : i32
    %dma_start3A = arith.constant 0 : i32
    %dma_start3A_3 = arith.constant 0 : i32
    %dma_start3A_4 = tpu.memref_slice %arg2[%add3A, %dma_start3A, %dma_start3A_3] : memref<32x2x128xi32, #tpu.memory_space<hbm>> -> memref<1x2x128xi32, #tpu.memory_space<hbm>>
    %dma_start3A_5 = tpu.memref_squeeze %dma_start3A_4 : memref<1x2x128xi32, #tpu.memory_space<hbm>> -> memref<2x128xi32, #tpu.memory_space<hbm>>
    %dma_start3A_6 = arith.constant 0 : i32
    %dma_start3A_7 = arith.constant 0 : i32
    %dma_start3A_8 = tpu.memref_slice %arg2[%add3A, %dma_start3A_6, %dma_start3A_7] : memref<32x2x128xi32, #tpu.memory_space<hbm>> -> memref<1x2x128xi32, #tpu.memory_space<hbm>>
    %dma_start3A_9 = tpu.memref_squeeze %dma_start3A_8 : memref<1x2x128xi32, #tpu.memory_space<hbm>> -> memref<2x128xi32, #tpu.memory_space<hbm>>
    tpu.enqueue_dma source(%dma_start3A_9 : memref<2x128xi32, #tpu.memory_space<hbm>>) target(%arg6 : memref<2x128xi32, #tpu.memory_space<vmem>>) target_semaphore(%arg9 : memref<!tpu.dma_semaphore, #tpu.memory_space<semaphore_mem>>)
    %dma_start3A_10 = arith.constant 0 : i32
    %dma_start3A_11 = tpu.memref_slice %arg4[%mul3A_2, %dma_start3A_10] : memref<2048x128xf32, #tpu.memory_space<hbm>> -> memref<64x128xf32, #tpu.memory_space<hbm>>
    %dma_start3A_12 = arith.constant 0 : i32
    %dma_start3A_13 = tpu.memref_slice %arg4[%mul3A_2, %dma_start3A_12] : memref<2048x128xf32, #tpu.memory_space<hbm>> -> memref<64x128xf32, #tpu.memory_space<hbm>>
    tpu.enqueue_dma source(%dma_start3A_13 : memref<64x128xf32, #tpu.memory_space<hbm>>) target(%arg8 : memref<64x128xf32, #tpu.memory_space<vmem>>) target_semaphore(%arg10 : memref<!tpu.dma_semaphore, #tpu.memory_space<semaphore_mem>>)
    %dma_wait3A = arith.constant 0 : i32
    %dma_wait3A_14 = arith.constant 0 : i32
    %dma_wait3A_15 = tpu.memref_slice %arg2[%add3A, %dma_wait3A, %dma_wait3A_14] : memref<32x2x128xi32, #tpu.memory_space<hbm>> -> memref<1x2x128xi32, #tpu.memory_space<hbm>>
    %dma_wait3A_16 = tpu.memref_squeeze %dma_wait3A_15 : memref<1x2x128xi32, #tpu.memory_space<hbm>> -> memref<2x128xi32, #tpu.memory_space<hbm>>
    %dma_wait3A_17 = arith.constant 0 : i32
    %dma_wait3A_18 = arith.constant 0 : i32
    %dma_wait3A_19 = tpu.memref_slice %arg2[%add3A, %dma_wait3A_17, %dma_wait3A_18] : memref<32x2x128xi32, #tpu.memory_space<hbm>> -> memref<1x2x128xi32, #tpu.memory_space<hbm>>
    %dma_wait3A_20 = tpu.memref_squeeze %dma_wait3A_19 : memref<1x2x128xi32, #tpu.memory_space<hbm>> -> memref<2x128xi32, #tpu.memory_space<hbm>>
    tpu.wait_dma2 semaphore(%arg9 : memref<!tpu.dma_semaphore, #tpu.memory_space<semaphore_mem>>) src(%dma_wait3A_20 : memref<2x128xi32, #tpu.memory_space<hbm>>) dst(%arg6 : memref<2x128xi32, #tpu.memory_space<vmem>>)
    %dma_start3A_21 = arith.constant 0 : i32
    %dma_start3A_22 = arith.constant 0 : i32
    %dma_start3A_23 = arith.constant 0 : i32
    %dma_start3A_24 = tpu.memref_slice %arg7[%dma_start3A_22, %dma_start3A_23] : memref<256x128xf32, #tpu.memory_space<vmem>> -> memref<128x128xf32, #tpu.memory_space<vmem>>
    %dma_start3A_25 = arith.constant 0 : i32
    %dma_start3A_26 = tpu.memref_slice %arg6[%dma_start3A_21, %dma_start3A_25] : memref<2x128xi32, #tpu.memory_space<vmem>> -> memref<1x128xi32, #tpu.memory_space<vmem>>
    %dma_start3A_27 = tpu.memref_squeeze %dma_start3A_26 : memref<1x128xi32, #tpu.memory_space<vmem>> -> memref<128xi32, #tpu.memory_space<vmem>>
    %dma_start3A_28 = arith.constant 0 : i32
    %dma_start3A_29 = arith.constant 0 : i32
    %dma_start3A_30 = tpu.memref_slice %arg3[%dma_start3A_28, %dma_start3A_29] : memref<100000x128xf32, #tpu.memory_space<hbm>> -> memref<100000x128xf32, #tpu.memory_space<hbm>>
    tpu.enqueue_indirect_dma source(%dma_start3A_30 : memref<100000x128xf32, #tpu.memory_space<hbm>>) target(%dma_start3A_24 : memref<128x128xf32, #tpu.memory_space<vmem>>) offsets(%dma_start3A_27 : memref<128xi32, #tpu.memory_space<vmem>>) semaphore(%arg11 : memref<!tpu.dma_semaphore, #tpu.memory_space<semaphore_mem>>)
    %dma_start3A_31 = arith.constant 1 : i32
    %dma_start3A_32 = arith.constant 128 : i32
    %dma_start3A_33 = arith.constant 0 : i32
    %dma_start3A_34 = tpu.memref_slice %arg7[%dma_start3A_32, %dma_start3A_33] : memref<256x128xf32, #tpu.memory_space<vmem>> -> memref<128x128xf32, #tpu.memory_space<vmem>>
    %dma_start3A_35 = arith.constant 0 : i32
    %dma_start3A_36 = tpu.memref_slice %arg6[%dma_start3A_31, %dma_start3A_35] : memref<2x128xi32, #tpu.memory_space<vmem>> -> memref<1x128xi32, #tpu.memory_space<vmem>>
    %dma_start3A_37 = tpu.memref_squeeze %dma_start3A_36 : memref<1x128xi32, #tpu.memory_space<vmem>> -> memref<128xi32, #tpu.memory_space<vmem>>
    %dma_start3A_38 = arith.constant 0 : i32
    %dma_start3A_39 = arith.constant 0 : i32
    %dma_start3A_40 = tpu.memref_slice %arg3[%dma_start3A_38, %dma_start3A_39] : memref<100000x128xf32, #tpu.memory_space<hbm>> -> memref<100000x128xf32, #tpu.memory_space<hbm>>
    tpu.enqueue_indirect_dma source(%dma_start3A_40 : memref<100000x128xf32, #tpu.memory_space<hbm>>) target(%dma_start3A_34 : memref<128x128xf32, #tpu.memory_space<vmem>>) offsets(%dma_start3A_37 : memref<128xi32, #tpu.memory_space<vmem>>) semaphore(%arg12 : memref<!tpu.dma_semaphore, #tpu.memory_space<semaphore_mem>>)
    %dma_wait3A_41 = arith.constant 0 : i32
    %dma_wait3A_42 = tpu.memref_slice %arg4[%mul3A_2, %dma_wait3A_41] : memref<2048x128xf32, #tpu.memory_space<hbm>> -> memref<64x128xf32, #tpu.memory_space<hbm>>
    %dma_wait3A_43 = arith.constant 0 : i32
    %dma_wait3A_44 = tpu.memref_slice %arg4[%mul3A_2, %dma_wait3A_43] : memref<2048x128xf32, #tpu.memory_space<hbm>> -> memref<64x128xf32, #tpu.memory_space<hbm>>
    tpu.wait_dma2 semaphore(%arg10 : memref<!tpu.dma_semaphore, #tpu.memory_space<semaphore_mem>>) src(%dma_wait3A_44 : memref<64x128xf32, #tpu.memory_space<hbm>>) dst(%arg8 : memref<64x128xf32, #tpu.memory_space<vmem>>)
    %dma_wait3A_45 = arith.constant 0 : i32
    %dma_wait3A_46 = arith.constant 0 : i32
    %dma_wait3A_47 = arith.constant 0 : i32
    %dma_wait3A_48 = tpu.memref_slice %arg7[%dma_wait3A_46, %dma_wait3A_47] : memref<256x128xf32, #tpu.memory_space<vmem>> -> memref<128x128xf32, #tpu.memory_space<vmem>>
    %dma_wait3A_49 = arith.constant 0 : i32
    %dma_wait3A_50 = tpu.memref_slice %arg6[%dma_wait3A_45, %dma_wait3A_49] : memref<2x128xi32, #tpu.memory_space<vmem>> -> memref<1x128xi32, #tpu.memory_space<vmem>>
    %dma_wait3A_51 = tpu.memref_squeeze %dma_wait3A_50 : memref<1x128xi32, #tpu.memory_space<vmem>> -> memref<128xi32, #tpu.memory_space<vmem>>
    %dma_wait3A_52 = arith.constant 0 : i32
    %dma_wait3A_53 = arith.constant 0 : i32
    %dma_wait3A_54 = tpu.memref_slice %arg3[%dma_wait3A_52, %dma_wait3A_53] : memref<100000x128xf32, #tpu.memory_space<hbm>> -> memref<100000x128xf32, #tpu.memory_space<hbm>>
    tpu.wait_indirect_dma semaphore(%arg11 : memref<!tpu.dma_semaphore, #tpu.memory_space<semaphore_mem>>) src(%dma_wait3A_54 : memref<100000x128xf32, #tpu.memory_space<hbm>>) dst(%dma_wait3A_48 : memref<128x128xf32, #tpu.memory_space<vmem>>)
    %dma_wait3A_55 = arith.constant 1 : i32
    %dma_wait3A_56 = arith.constant 128 : i32
    %dma_wait3A_57 = arith.constant 0 : i32
    %dma_wait3A_58 = tpu.memref_slice %arg7[%dma_wait3A_56, %dma_wait3A_57] : memref<256x128xf32, #tpu.memory_space<vmem>> -> memref<128x128xf32, #tpu.memory_space<vmem>>
    %dma_wait3A_59 = arith.constant 0 : i32
    %dma_wait3A_60 = tpu.memref_slice %arg6[%dma_wait3A_55, %dma_wait3A_59] : memref<2x128xi32, #tpu.memory_space<vmem>> -> memref<1x128xi32, #tpu.memory_space<vmem>>
    %dma_wait3A_61 = tpu.memref_squeeze %dma_wait3A_60 : memref<1x128xi32, #tpu.memory_space<vmem>> -> memref<128xi32, #tpu.memory_space<vmem>>
    %dma_wait3A_62 = arith.constant 0 : i32
    %dma_wait3A_63 = arith.constant 0 : i32
    %dma_wait3A_64 = tpu.memref_slice %arg3[%dma_wait3A_62, %dma_wait3A_63] : memref<100000x128xf32, #tpu.memory_space<hbm>> -> memref<100000x128xf32, #tpu.memory_space<hbm>>
    tpu.wait_indirect_dma semaphore(%arg12 : memref<!tpu.dma_semaphore, #tpu.memory_space<semaphore_mem>>) src(%dma_wait3A_64 : memref<100000x128xf32, #tpu.memory_space<hbm>>) dst(%dma_wait3A_58 : memref<128x128xf32, #tpu.memory_space<vmem>>)
    %scan3A = arith.constant 0 : i32
    %scan3A_65 = arith.constant 0 : i32
    %scan3A_66 = arith.constant 64 : i32
    %scan3A_67 = arith.addi %scan3A_65, %scan3A_66 : i32
    %scan3A_68 = arith.constant 1 : i32
    scf.for %scan3A_158 = %scan3A_65 to %scan3A_67 step %scan3A_68  : i32 {
      %get3A = arith.index_cast %scan3A_158 : i32 to index
      %get3A_159 = arith.constant 0 : index
      %get3A_160 = tpu.vector_load %arg8[%get3A, %get3A_159] {strides = array<i32>} : memref<64x128xf32, #tpu.memory_space<vmem>>, vector<1x16xf32>,
      %get3A_161 = vector.shape_cast %get3A_160 : vector<1x16xf32> to vector<16xf32>
      %add3A_162 = arith.constant 0 : i32
      %add3A_163 = arith.addi %add3A_162, %scan3A_158 : i32
      %swap3A = arith.index_cast %add3A_163 : i32 to index
      %swap3A_164 = arith.constant 0 : index
      %swap3A_165 = tpu.vector_load %arg7[%swap3A, %swap3A_164] {strides = array<i32>} : memref<256x128xf32, #tpu.memory_space<vmem>>, vector<1x16xf32>,
      %swap3A_166 = vector.shape_cast %swap3A_165 : vector<1x16xf32> to vector<16xf32>
      %swap3A_167 = vector.shape_cast %get3A_161 : vector<16xf32> to vector<1x16xf32>
      tpu.vector_store %arg7[%swap3A, %swap3A_164], %swap3A_167 {add = true, strides = array<i32>} : memref<256x128xf32, #tpu.memory_space<vmem>>, vector<1x16xf32>,
      %add3A_168 = arith.constant 64 : i32
      %add3A_169 = arith.addi %add3A_168, %scan3A_158 : i32
      %swap3A_170 = arith.index_cast %add3A_169 : i32 to index
      %swap3A_171 = arith.constant 0 : index
      %swap3A_172 = tpu.vector_load %arg7[%swap3A_170, %swap3A_171] {strides = array<i32>} : memref<256x128xf32, #tpu.memory_space<vmem>>, vector<1x16xf32>,
      %swap3A_173 = vector.shape_cast %swap3A_172 : vector<1x16xf32> to vector<16xf32>
      %swap3A_174 = vector.shape_cast %get3A_161 : vector<16xf32> to vector<1x16xf32>
      tpu.vector_store %arg7[%swap3A_170, %swap3A_171], %swap3A_174 {add = true, strides = array<i32>} : memref<256x128xf32, #tpu.memory_space<vmem>>, vector<1x16xf32>,
      %add3A_175 = arith.constant 128 : i32
      %add3A_176 = arith.addi %add3A_175, %scan3A_158 : i32
      %swap3A_177 = arith.index_cast %add3A_176 : i32 to index
      %swap3A_178 = arith.constant 0 : index
      %swap3A_179 = tpu.vector_load %arg7[%swap3A_177, %swap3A_178] {strides = array<i32>} : memref<256x128xf32, #tpu.memory_space<vmem>>, vector<1x16xf32>,
      %swap3A_180 = vector.shape_cast %swap3A_179 : vector<1x16xf32> to vector<16xf32>
      %swap3A_181 = vector.shape_cast %get3A_161 : vector<16xf32> to vector<1x16xf32>
      tpu.vector_store %arg7[%swap3A_177, %swap3A_178], %swap3A_181 {add = true, strides = array<i32>} : memref<256x128xf32, #tpu.memory_space<vmem>>, vector<1x16xf32>,
      %add3A_182 = arith.constant 192 : i32
      %add3A_183 = arith.addi %add3A_182, %scan3A_158 : i32
      %swap3A_184 = arith.index_cast %add3A_183 : i32 to index
      %swap3A_185 = arith.constant 0 : index
      %swap3A_186 = tpu.vector_load %arg7[%swap3A_184, %swap3A_185] {strides = array<i32>} : memref<256x128xf32, #tpu.memory_space<vmem>>, vector<1x16xf32>,
      %swap3A_187 = vector.shape_cast %swap3A_186 : vector<1x16xf32> to vector<16xf32>
      %swap3A_188 = vector.shape_cast %get3A_161 : vector<16xf32> to vector<1x16xf32>
      tpu.vector_store %arg7[%swap3A_184, %swap3A_185], %swap3A_188 {add = true, strides = array<i32>} : memref<256x128xf32, #tpu.memory_space<vmem>>, vector<1x16xf32>,
      %get3A_189 = arith.index_cast %scan3A_158 : i32 to index
      %get3A_190 = arith.constant 16 : index
      %get3A_191 = tpu.vector_load %arg8[%get3A_189, %get3A_190] {strides = array<i32>} : memref<64x128xf32, #tpu.memory_space<vmem>>, vector<1x16xf32>,
      %get3A_192 = vector.shape_cast %get3A_191 : vector<1x16xf32> to vector<16xf32>
      %add3A_193 = arith.constant 0 : i32
      %add3A_194 = arith.addi %add3A_193, %scan3A_158 : i32
      %swap3A_195 = arith.index_cast %add3A_194 : i32 to index
      %swap3A_196 = arith.constant 16 : index
      %swap3A_197 = tpu.vector_load %arg7[%swap3A_195, %swap3A_196] {strides = array<i32>} : memref<256x128xf32, #tpu.memory_space<vmem>>, vector<1x16xf32>,
      %swap3A_198 = vector.shape_cast %swap3A_197 : vector<1x16xf32> to vector<16xf32>
      %swap3A_199 = vector.shape_cast %get3A_192 : vector<16xf32> to vector<1x16xf32>
      tpu.vector_store %arg7[%swap3A_195, %swap3A_196], %swap3A_199 {add = true, strides = array<i32>} : memref<256x128xf32, #tpu.memory_space<vmem>>, vector<1x16xf32>,
      %add3A_200 = arith.constant 64 : i32
      %add3A_201 = arith.addi %add3A_200, %scan3A_158 : i32
      %swap3A_202 = arith.index_cast %add3A_201 : i32 to index
      %swap3A_203 = arith.constant 16 : index
      %swap3A_204 = tpu.vector_load %arg7[%swap3A_202, %swap3A_203] {strides = array<i32>} : memref<256x128xf32, #tpu.memory_space<vmem>>, vector<1x16xf32>,
      %swap3A_205 = vector.shape_cast %swap3A_204 : vector<1x16xf32> to vector<16xf32>
      %swap3A_206 = vector.shape_cast %get3A_192 : vector<16xf32> to vector<1x16xf32>
      tpu.vector_store %arg7[%swap3A_202, %swap3A_203], %swap3A_206 {add = true, strides = array<i32>} : memref<256x128xf32, #tpu.memory_space<vmem>>, vector<1x16xf32>,
      %add3A_207 = arith.constant 128 : i32
      %add3A_208 = arith.addi %add3A_207, %scan3A_158 : i32
      %swap3A_209 = arith.index_cast %add3A_208 : i32 to index
      %swap3A_210 = arith.constant 16 : index
      %swap3A_211 = tpu.vector_load %arg7[%swap3A_209, %swap3A_210] {strides = array<i32>} : memref<256x128xf32, #tpu.memory_space<vmem>>, vector<1x16xf32>,
      %swap3A_212 = vector.shape_cast %swap3A_211 : vector<1x16xf32> to vector<16xf32>
      %swap3A_213 = vector.shape_cast %get3A_192 : vector<16xf32> to vector<1x16xf32>
      tpu.vector_store %arg7[%swap3A_209, %swap3A_210], %swap3A_213 {add = true, strides = array<i32>} : memref<256x128xf32, #tpu.memory_space<vmem>>, vector<1x16xf32>,
      %add3A_214 = arith.constant 192 : i32
      %add3A_215 = arith.addi %add3A_214, %scan3A_158 : i32
      %swap3A_216 = arith.index_cast %add3A_215 : i32 to index
      %swap3A_217 = arith.constant 16 : index
      %swap3A_218 = tpu.vector_load %arg7[%swap3A_216, %swap3A_217] {strides = array<i32>} : memref<256x128xf32, #tpu.memory_space<vmem>>, vector<1x16xf32>,
      %swap3A_219 = vector.shape_cast %swap3A_218 : vector<1x16xf32> to vector<16xf32>
      %swap3A_220 = vector.shape_cast %get3A_192 : vector<16xf32> to vector<1x16xf32>
      tpu.vector_store %arg7[%swap3A_216, %swap3A_217], %swap3A_220 {add = true, strides = array<i32>} : memref<256x128xf32, #tpu.memory_space<vmem>>, vector<1x16xf32>,
      %get3A_221 = arith.index_cast %scan3A_158 : i32 to index
      %get3A_222 = arith.constant 32 : index
      %get3A_223 = tpu.vector_load %arg8[%get3A_221, %get3A_222] {strides = array<i32>} : memref<64x128xf32, #tpu.memory_space<vmem>>, vector<1x16xf32>,
      %get3A_224 = vector.shape_cast %get3A_223 : vector<1x16xf32> to vector<16xf32>
      %add3A_225 = arith.constant 0 : i32
      %add3A_226 = arith.addi %add3A_225, %scan3A_158 : i32
      %swap3A_227 = arith.index_cast %add3A_226 : i32 to index
      %swap3A_228 = arith.constant 32 : index
      %swap3A_229 = tpu.vector_load %arg7[%swap3A_227, %swap3A_228] {strides = array<i32>} : memref<256x128xf32, #tpu.memory_space<vmem>>, vector<1x16xf32>,
      %swap3A_230 = vector.shape_cast %swap3A_229 : vector<1x16xf32> to vector<16xf32>
      %swap3A_231 = vector.shape_cast %get3A_224 : vector<16xf32> to vector<1x16xf32>
      tpu.vector_store %arg7[%swap3A_227, %swap3A_228], %swap3A_231 {add = true, strides = array<i32>} : memref<256x128xf32, #tpu.memory_space<vmem>>, vector<1x16xf32>,
      %add3A_232 = arith.constant 64 : i32
      %add3A_233 = arith.addi %add3A_232, %scan3A_158 : i32
      %swap3A_234 = arith.index_cast %add3A_233 : i32 to index
      %swap3A_235 = arith.constant 32 : index
      %swap3A_236 = tpu.vector_load %arg7[%swap3A_234, %swap3A_235] {strides = array<i32>} : memref<256x128xf32, #tpu.memory_space<vmem>>, vector<1x16xf32>,
      %swap3A_237 = vector.shape_cast %swap3A_236 : vector<1x16xf32> to vector<16xf32>
      %swap3A_238 = vector.shape_cast %get3A_224 : vector<16xf32> to vector<1x16xf32>
      tpu.vector_store %arg7[%swap3A_234, %swap3A_235], %swap3A_238 {add = true, strides = array<i32>} : memref<256x128xf32, #tpu.memory_space<vmem>>, vector<1x16xf32>,
      %add3A_239 = arith.constant 128 : i32
      %add3A_240 = arith.addi %add3A_239, %scan3A_158 : i32
      %swap3A_241 = arith.index_cast %add3A_240 : i32 to index
      %swap3A_242 = arith.constant 32 : index
      %swap3A_243 = tpu.vector_load %arg7[%swap3A_241, %swap3A_242] {strides = array<i32>} : memref<256x128xf32, #tpu.memory_space<vmem>>, vector<1x16xf32>,
      %swap3A_244 = vector.shape_cast %swap3A_243 : vector<1x16xf32> to vector<16xf32>
      %swap3A_245 = vector.shape_cast %get3A_224 : vector<16xf32> to vector<1x16xf32>
      tpu.vector_store %arg7[%swap3A_241, %swap3A_242], %swap3A_245 {add = true, strides = array<i32>} : memref<256x128xf32, #tpu.memory_space<vmem>>, vector<1x16xf32>,
      %add3A_246 = arith.constant 192 : i32
      %add3A_247 = arith.addi %add3A_246, %scan3A_158 : i32
      %swap3A_248 = arith.index_cast %add3A_247 : i32 to index
      %swap3A_249 = arith.constant 32 : index
      %swap3A_250 = tpu.vector_load %arg7[%swap3A_248, %swap3A_249] {strides = array<i32>} : memref<256x128xf32, #tpu.memory_space<vmem>>, vector<1x16xf32>,
      %swap3A_251 = vector.shape_cast %swap3A_250 : vector<1x16xf32> to vector<16xf32>
      %swap3A_252 = vector.shape_cast %get3A_224 : vector<16xf32> to vector<1x16xf32>
      tpu.vector_store %arg7[%swap3A_248, %swap3A_249], %swap3A_252 {add = true, strides = array<i32>} : memref<256x128xf32, #tpu.memory_space<vmem>>, vector<1x16xf32>,
      %get3A_253 = arith.index_cast %scan3A_158 : i32 to index
      %get3A_254 = arith.constant 48 : index
      %get3A_255 = tpu.vector_load %arg8[%get3A_253, %get3A_254] {strides = array<i32>} : memref<64x128xf32, #tpu.memory_space<vmem>>, vector<1x16xf32>,
      %get3A_256 = vector.shape_cast %get3A_255 : vector<1x16xf32> to vector<16xf32>
      %add3A_257 = arith.constant 0 : i32
      %add3A_258 = arith.addi %add3A_257, %scan3A_158 : i32
      %swap3A_259 = arith.index_cast %add3A_258 : i32 to index
      %swap3A_260 = arith.constant 48 : index
      %swap3A_261 = tpu.vector_load %arg7[%swap3A_259, %swap3A_260] {strides = array<i32>} : memref<256x128xf32, #tpu.memory_space<vmem>>, vector<1x16xf32>,
      %swap3A_262 = vector.shape_cast %swap3A_261 : vector<1x16xf32> to vector<16xf32>
      %swap3A_263 = vector.shape_cast %get3A_256 : vector<16xf32> to vector<1x16xf32>
      tpu.vector_store %arg7[%swap3A_259, %swap3A_260], %swap3A_263 {add = true, strides = array<i32>} : memref<256x128xf32, #tpu.memory_space<vmem>>, vector<1x16xf32>,
      %add3A_264 = arith.constant 64 : i32
      %add3A_265 = arith.addi %add3A_264, %scan3A_158 : i32
      %swap3A_266 = arith.index_cast %add3A_265 : i32 to index
      %swap3A_267 = arith.constant 48 : index
      %swap3A_268 = tpu.vector_load %arg7[%swap3A_266, %swap3A_267] {strides = array<i32>} : memref<256x128xf32, #tpu.memory_space<vmem>>, vector<1x16xf32>,
      %swap3A_269 = vector.shape_cast %swap3A_268 : vector<1x16xf32> to vector<16xf32>
      %swap3A_270 = vector.shape_cast %get3A_256 : vector<16xf32> to vector<1x16xf32>
      tpu.vector_store %arg7[%swap3A_266, %swap3A_267], %swap3A_270 {add = true, strides = array<i32>} : memref<256x128xf32, #tpu.memory_space<vmem>>, vector<1x16xf32>,
      %add3A_271 = arith.constant 128 : i32
      %add3A_272 = arith.addi %add3A_271, %scan3A_158 : i32
      %swap3A_273 = arith.index_cast %add3A_272 : i32 to index
      %swap3A_274 = arith.constant 48 : index
      %swap3A_275 = tpu.vector_load %arg7[%swap3A_273, %swap3A_274] {strides = array<i32>} : memref<256x128xf32, #tpu.memory_space<vmem>>, vector<1x16xf32>,
      %swap3A_276 = vector.shape_cast %swap3A_275 : vector<1x16xf32> to vector<16xf32>
      %swap3A_277 = vector.shape_cast %get3A_256 : vector<16xf32> to vector<1x16xf32>
      tpu.vector_store %arg7[%swap3A_273, %swap3A_274], %swap3A_277 {add = true, strides = array<i32>} : memref<256x128xf32, #tpu.memory_space<vmem>>, vector<1x16xf32>,
      %add3A_278 = arith.constant 192 : i32
      %add3A_279 = arith.addi %add3A_278, %scan3A_158 : i32
      %swap3A_280 = arith.index_cast %add3A_279 : i32 to index
      %swap3A_281 = arith.constant 48 : index
      %swap3A_282 = tpu.vector_load %arg7[%swap3A_280, %swap3A_281] {strides = array<i32>} : memref<256x128xf32, #tpu.memory_space<vmem>>, vector<1x16xf32>,
      %swap3A_283 = vector.shape_cast %swap3A_282 : vector<1x16xf32> to vector<16xf32>
      %swap3A_284 = vector.shape_cast %get3A_256 : vector<16xf32> to vector<1x16xf32>
      tpu.vector_store %arg7[%swap3A_280, %swap3A_281], %swap3A_284 {add = true, strides = array<i32>} : memref<256x128xf32, #tpu.memory_space<vmem>>, vector<1x16xf32>,
      %get3A_285 = arith.index_cast %scan3A_158 : i32 to index
      %get3A_286 = arith.constant 64 : index
      %get3A_287 = tpu.vector_load %arg8[%get3A_285, %get3A_286] {strides = array<i32>} : memref<64x128xf32, #tpu.memory_space<vmem>>, vector<1x16xf32>,
      %get3A_288 = vector.shape_cast %get3A_287 : vector<1x16xf32> to vector<16xf32>
      %add3A_289 = arith.constant 0 : i32
      %add3A_290 = arith.addi %add3A_289, %scan3A_158 : i32
      %swap3A_291 = arith.index_cast %add3A_290 : i32 to index
      %swap3A_292 = arith.constant 64 : index
      %swap3A_293 = tpu.vector_load %arg7[%swap3A_291, %swap3A_292] {strides = array<i32>} : memref<256x128xf32, #tpu.memory_space<vmem>>, vector<1x16xf32>,
      %swap3A_294 = vector.shape_cast %swap3A_293 : vector<1x16xf32> to vector<16xf32>
      %swap3A_295 = vector.shape_cast %get3A_288 : vector<16xf32> to vector<1x16xf32>
      tpu.vector_store %arg7[%swap3A_291, %swap3A_292], %swap3A_295 {add = true, strides = array<i32>} : memref<256x128xf32, #tpu.memory_space<vmem>>, vector<1x16xf32>,
      %add3A_296 = arith.constant 64 : i32
      %add3A_297 = arith.addi %add3A_296, %scan3A_158 : i32
      %swap3A_298 = arith.index_cast %add3A_297 : i32 to index
      %swap3A_299 = arith.constant 64 : index
      %swap3A_300 = tpu.vector_load %arg7[%swap3A_298, %swap3A_299] {strides = array<i32>} : memref<256x128xf32, #tpu.memory_space<vmem>>, vector<1x16xf32>,
      %swap3A_301 = vector.shape_cast %swap3A_300 : vector<1x16xf32> to vector<16xf32>
      %swap3A_302 = vector.shape_cast %get3A_288 : vector<16xf32> to vector<1x16xf32>
      tpu.vector_store %arg7[%swap3A_298, %swap3A_299], %swap3A_302 {add = true, strides = array<i32>} : memref<256x128xf32, #tpu.memory_space<vmem>>, vector<1x16xf32>,
      %add3A_303 = arith.constant 128 : i32
      %add3A_304 = arith.addi %add3A_303, %scan3A_158 : i32
      %swap3A_305 = arith.index_cast %add3A_304 : i32 to index
      %swap3A_306 = arith.constant 64 : index
      %swap3A_307 = tpu.vector_load %arg7[%swap3A_305, %swap3A_306] {strides = array<i32>} : memref<256x128xf32, #tpu.memory_space<vmem>>, vector<1x16xf32>,
      %swap3A_308 = vector.shape_cast %swap3A_307 : vector<1x16xf32> to vector<16xf32>
      %swap3A_309 = vector.shape_cast %get3A_288 : vector<16xf32> to vector<1x16xf32>
      tpu.vector_store %arg7[%swap3A_305, %swap3A_306], %swap3A_309 {add = true, strides = array<i32>} : memref<256x128xf32, #tpu.memory_space<vmem>>, vector<1x16xf32>,
      %add3A_310 = arith.constant 192 : i32
      %add3A_311 = arith.addi %add3A_310, %scan3A_158 : i32
      %swap3A_312 = arith.index_cast %add3A_311 : i32 to index
      %swap3A_313 = arith.constant 64 : index
      %swap3A_314 = tpu.vector_load %arg7[%swap3A_312, %swap3A_313] {strides = array<i32>} : memref<256x128xf32, #tpu.memory_space<vmem>>, vector<1x16xf32>,
      %swap3A_315 = vector.shape_cast %swap3A_314 : vector<1x16xf32> to vector<16xf32>
      %swap3A_316 = vector.shape_cast %get3A_288 : vector<16xf32> to vector<1x16xf32>
      tpu.vector_store %arg7[%swap3A_312, %swap3A_313], %swap3A_316 {add = true, strides = array<i32>} : memref<256x128xf32, #tpu.memory_space<vmem>>, vector<1x16xf32>,
      %get3A_317 = arith.index_cast %scan3A_158 : i32 to index
      %get3A_318 = arith.constant 80 : index
      %get3A_319 = tpu.vector_load %arg8[%get3A_317, %get3A_318] {strides = array<i32>} : memref<64x128xf32, #tpu.memory_space<vmem>>, vector<1x16xf32>,
      %get3A_320 = vector.shape_cast %get3A_319 : vector<1x16xf32> to vector<16xf32>
      %add3A_321 = arith.constant 0 : i32
      %add3A_322 = arith.addi %add3A_321, %scan3A_158 : i32
      %swap3A_323 = arith.index_cast %add3A_322 : i32 to index
      %swap3A_324 = arith.constant 80 : index
      %swap3A_325 = tpu.vector_load %arg7[%swap3A_323, %swap3A_324] {strides = array<i32>} : memref<256x128xf32, #tpu.memory_space<vmem>>, vector<1x16xf32>,
      %swap3A_326 = vector.shape_cast %swap3A_325 : vector<1x16xf32> to vector<16xf32>
      %swap3A_327 = vector.shape_cast %get3A_320 : vector<16xf32> to vector<1x16xf32>
      tpu.vector_store %arg7[%swap3A_323, %swap3A_324], %swap3A_327 {add = true, strides = array<i32>} : memref<256x128xf32, #tpu.memory_space<vmem>>, vector<1x16xf32>,
      %add3A_328 = arith.constant 64 : i32
      %add3A_329 = arith.addi %add3A_328, %scan3A_158 : i32
      %swap3A_330 = arith.index_cast %add3A_329 : i32 to index
      %swap3A_331 = arith.constant 80 : index
      %swap3A_332 = tpu.vector_load %arg7[%swap3A_330, %swap3A_331] {strides = array<i32>} : memref<256x128xf32, #tpu.memory_space<vmem>>, vector<1x16xf32>,
      %swap3A_333 = vector.shape_cast %swap3A_332 : vector<1x16xf32> to vector<16xf32>
      %swap3A_334 = vector.shape_cast %get3A_320 : vector<16xf32> to vector<1x16xf32>
      tpu.vector_store %arg7[%swap3A_330, %swap3A_331], %swap3A_334 {add = true, strides = array<i32>} : memref<256x128xf32, #tpu.memory_space<vmem>>, vector<1x16xf32>,
      %add3A_335 = arith.constant 128 : i32
      %add3A_336 = arith.addi %add3A_335, %scan3A_158 : i32
      %swap3A_337 = arith.index_cast %add3A_336 : i32 to index
      %swap3A_338 = arith.constant 80 : index
      %swap3A_339 = tpu.vector_load %arg7[%swap3A_337, %swap3A_338] {strides = array<i32>} : memref<256x128xf32, #tpu.memory_space<vmem>>, vector<1x16xf32>,
      %swap3A_340 = vector.shape_cast %swap3A_339 : vector<1x16xf32> to vector<16xf32>
      %swap3A_341 = vector.shape_cast %get3A_320 : vector<16xf32> to vector<1x16xf32>
      tpu.vector_store %arg7[%swap3A_337, %swap3A_338], %swap3A_341 {add = true, strides = array<i32>} : memref<256x128xf32, #tpu.memory_space<vmem>>, vector<1x16xf32>,
      %add3A_342 = arith.constant 192 : i32
      %add3A_343 = arith.addi %add3A_342, %scan3A_158 : i32
      %swap3A_344 = arith.index_cast %add3A_343 : i32 to index
      %swap3A_345 = arith.constant 80 : index
      %swap3A_346 = tpu.vector_load %arg7[%swap3A_344, %swap3A_345] {strides = array<i32>} : memref<256x128xf32, #tpu.memory_space<vmem>>, vector<1x16xf32>,
      %swap3A_347 = vector.shape_cast %swap3A_346 : vector<1x16xf32> to vector<16xf32>
      %swap3A_348 = vector.shape_cast %get3A_320 : vector<16xf32> to vector<1x16xf32>
      tpu.vector_store %arg7[%swap3A_344, %swap3A_345], %swap3A_348 {add = true, strides = array<i32>} : memref<256x128xf32, #tpu.memory_space<vmem>>, vector<1x16xf32>,
      %get3A_349 = arith.index_cast %scan3A_158 : i32 to index
      %get3A_350 = arith.constant 96 : index
      %get3A_351 = tpu.vector_load %arg8[%get3A_349, %get3A_350] {strides = array<i32>} : memref<64x128xf32, #tpu.memory_space<vmem>>, vector<1x16xf32>,
      %get3A_352 = vector.shape_cast %get3A_351 : vector<1x16xf32> to vector<16xf32>
      %add3A_353 = arith.constant 0 : i32
      %add3A_354 = arith.addi %add3A_353, %scan3A_158 : i32
      %swap3A_355 = arith.index_cast %add3A_354 : i32 to index
      %swap3A_356 = arith.constant 96 : index
      %swap3A_357 = tpu.vector_load %arg7[%swap3A_355, %swap3A_356] {strides = array<i32>} : memref<256x128xf32, #tpu.memory_space<vmem>>, vector<1x16xf32>,
      %swap3A_358 = vector.shape_cast %swap3A_357 : vector<1x16xf32> to vector<16xf32>
      %swap3A_359 = vector.shape_cast %get3A_352 : vector<16xf32> to vector<1x16xf32>
      tpu.vector_store %arg7[%swap3A_355, %swap3A_356], %swap3A_359 {add = true, strides = array<i32>} : memref<256x128xf32, #tpu.memory_space<vmem>>, vector<1x16xf32>,
      %add3A_360 = arith.constant 64 : i32
      %add3A_361 = arith.addi %add3A_360, %scan3A_158 : i32
      %swap3A_362 = arith.index_cast %add3A_361 : i32 to index
      %swap3A_363 = arith.constant 96 : index
      %swap3A_364 = tpu.vector_load %arg7[%swap3A_362, %swap3A_363] {strides = array<i32>} : memref<256x128xf32, #tpu.memory_space<vmem>>, vector<1x16xf32>,
      %swap3A_365 = vector.shape_cast %swap3A_364 : vector<1x16xf32> to vector<16xf32>
      %swap3A_366 = vector.shape_cast %get3A_352 : vector<16xf32> to vector<1x16xf32>
      tpu.vector_store %arg7[%swap3A_362, %swap3A_363], %swap3A_366 {add = true, strides = array<i32>} : memref<256x128xf32, #tpu.memory_space<vmem>>, vector<1x16xf32>,
      %add3A_367 = arith.constant 128 : i32
      %add3A_368 = arith.addi %add3A_367, %scan3A_158 : i32
      %swap3A_369 = arith.index_cast %add3A_368 : i32 to index
      %swap3A_370 = arith.constant 96 : index
      %swap3A_371 = tpu.vector_load %arg7[%swap3A_369, %swap3A_370] {strides = array<i32>} : memref<256x128xf32, #tpu.memory_space<vmem>>, vector<1x16xf32>,
      %swap3A_372 = vector.shape_cast %swap3A_371 : vector<1x16xf32> to vector<16xf32>
      %swap3A_373 = vector.shape_cast %get3A_352 : vector<16xf32> to vector<1x16xf32>
      tpu.vector_store %arg7[%swap3A_369, %swap3A_370], %swap3A_373 {add = true, strides = array<i32>} : memref<256x128xf32, #tpu.memory_space<vmem>>, vector<1x16xf32>,
      %add3A_374 = arith.constant 192 : i32
      %add3A_375 = arith.addi %add3A_374, %scan3A_158 : i32
      %swap3A_376 = arith.index_cast %add3A_375 : i32 to index
      %swap3A_377 = arith.constant 96 : index
      %swap3A_378 = tpu.vector_load %arg7[%swap3A_376, %swap3A_377] {strides = array<i32>} : memref<256x128xf32, #tpu.memory_space<vmem>>, vector<1x16xf32>,
      %swap3A_379 = vector.shape_cast %swap3A_378 : vector<1x16xf32> to vector<16xf32>
      %swap3A_380 = vector.shape_cast %get3A_352 : vector<16xf32> to vector<1x16xf32>
      tpu.vector_store %arg7[%swap3A_376, %swap3A_377], %swap3A_380 {add = true, strides = array<i32>} : memref<256x128xf32, #tpu.memory_space<vmem>>, vector<1x16xf32>,
      %get3A_381 = arith.index_cast %scan3A_158 : i32 to index
      %get3A_382 = arith.constant 112 : index
      %get3A_383 = tpu.vector_load %arg8[%get3A_381, %get3A_382] {strides = array<i32>} : memref<64x128xf32, #tpu.memory_space<vmem>>, vector<1x16xf32>,
      %get3A_384 = vector.shape_cast %get3A_383 : vector<1x16xf32> to vector<16xf32>
      %add3A_385 = arith.constant 0 : i32
      %add3A_386 = arith.addi %add3A_385, %scan3A_158 : i32
      %swap3A_387 = arith.index_cast %add3A_386 : i32 to index
      %swap3A_388 = arith.constant 112 : index
      %swap3A_389 = tpu.vector_load %arg7[%swap3A_387, %swap3A_388] {strides = array<i32>} : memref<256x128xf32, #tpu.memory_space<vmem>>, vector<1x16xf32>,
      %swap3A_390 = vector.shape_cast %swap3A_389 : vector<1x16xf32> to vector<16xf32>
      %swap3A_391 = vector.shape_cast %get3A_384 : vector<16xf32> to vector<1x16xf32>
      tpu.vector_store %arg7[%swap3A_387, %swap3A_388], %swap3A_391 {add = true, strides = array<i32>} : memref<256x128xf32, #tpu.memory_space<vmem>>, vector<1x16xf32>,
      %add3A_392 = arith.constant 64 : i32
      %add3A_393 = arith.addi %add3A_392, %scan3A_158 : i32
      %swap3A_394 = arith.index_cast %add3A_393 : i32 to index
      %swap3A_395 = arith.constant 112 : index
      %swap3A_396 = tpu.vector_load %arg7[%swap3A_394, %swap3A_395] {strides = array<i32>} : memref<256x128xf32, #tpu.memory_space<vmem>>, vector<1x16xf32>,
      %swap3A_397 = vector.shape_cast %swap3A_396 : vector<1x16xf32> to vector<16xf32>
      %swap3A_398 = vector.shape_cast %get3A_384 : vector<16xf32> to vector<1x16xf32>
      tpu.vector_store %arg7[%swap3A_394, %swap3A_395], %swap3A_398 {add = true, strides = array<i32>} : memref<256x128xf32, #tpu.memory_space<vmem>>, vector<1x16xf32>,
      %add3A_399 = arith.constant 128 : i32
      %add3A_400 = arith.addi %add3A_399, %scan3A_158 : i32
      %swap3A_401 = arith.index_cast %add3A_400 : i32 to index
      %swap3A_402 = arith.constant 112 : index
      %swap3A_403 = tpu.vector_load %arg7[%swap3A_401, %swap3A_402] {strides = array<i32>} : memref<256x128xf32, #tpu.memory_space<vmem>>, vector<1x16xf32>,
      %swap3A_404 = vector.shape_cast %swap3A_403 : vector<1x16xf32> to vector<16xf32>
      %swap3A_405 = vector.shape_cast %get3A_384 : vector<16xf32> to vector<1x16xf32>
      tpu.vector_store %arg7[%swap3A_401, %swap3A_402], %swap3A_405 {add = true, strides = array<i32>} : memref<256x128xf32, #tpu.memory_space<vmem>>, vector<1x16xf32>,
      %add3A_406 = arith.constant 192 : i32
      %add3A_407 = arith.addi %add3A_406, %scan3A_158 : i32
      %swap3A_408 = arith.index_cast %add3A_407 : i32 to index
      %swap3A_409 = arith.constant 112 : index
      %swap3A_410 = tpu.vector_load %arg7[%swap3A_408, %swap3A_409] {strides = array<i32>} : memref<256x128xf32, #tpu.memory_space<vmem>>, vector<1x16xf32>,
      %swap3A_411 = vector.shape_cast %swap3A_410 : vector<1x16xf32> to vector<16xf32>
      %swap3A_412 = vector.shape_cast %get3A_384 : vector<16xf32> to vector<1x16xf32>
      tpu.vector_store %arg7[%swap3A_408, %swap3A_409], %swap3A_412 {add = true, strides = array<i32>} : memref<256x128xf32, #tpu.memory_space<vmem>>, vector<1x16xf32>,
    }
    %scan3A_69 = arith.constant 64 : i32
    %add3A_70 = arith.constant 0 : i32
    %add3A_71 = arith.addi %add3A_70, %mul3A_2 : i32
    %dma_start3A_72 = arith.constant 0 : i32
    %dma_start3A_73 = arith.constant 0 : i32
    %dma_start3A_74 = tpu.memref_slice %arg7[%dma_start3A_72, %dma_start3A_73] : memref<256x128xf32, #tpu.memory_space<vmem>> -> memref<64x128xf32, #tpu.memory_space<vmem>>
    %dma_start3A_75 = arith.constant 0 : i32
    %dma_start3A_76 = tpu.memref_slice %arg5[%add3A_71, %dma_start3A_75] : memref<8192x128xf32, #tpu.memory_space<hbm>> -> memref<64x128xf32, #tpu.memory_space<hbm>>
    %dma_start3A_77 = arith.constant 0 : i32
    %dma_start3A_78 = tpu.memref_slice %arg5[%add3A_71, %dma_start3A_77] : memref<8192x128xf32, #tpu.memory_space<hbm>> -> memref<64x128xf32, #tpu.memory_space<hbm>>
    %dma_start3A_79 = arith.constant 0 : i32
    %dma_start3A_80 = arith.constant 0 : i32
    %dma_start3A_81 = tpu.memref_slice %arg7[%dma_start3A_79, %dma_start3A_80] : memref<256x128xf32, #tpu.memory_space<vmem>> -> memref<64x128xf32, #tpu.memory_space<vmem>>
    tpu.enqueue_dma source(%dma_start3A_81 : memref<64x128xf32, #tpu.memory_space<vmem>>) target(%dma_start3A_78 : memref<64x128xf32, #tpu.memory_space<hbm>>) target_semaphore(%arg13 : memref<!tpu.dma_semaphore, #tpu.memory_space<semaphore_mem>>)
    %add3A_82 = arith.constant 2048 : i32
    %add3A_83 = arith.addi %add3A_82, %mul3A_2 : i32
    %dma_start3A_84 = arith.constant 64 : i32
    %dma_start3A_85 = arith.constant 0 : i32
    %dma_start3A_86 = tpu.memref_slice %arg7[%dma_start3A_84, %dma_start3A_85] : memref<256x128xf32, #tpu.memory_space<vmem>> -> memref<64x128xf32, #tpu.memory_space<vmem>>
    %dma_start3A_87 = arith.constant 0 : i32
    %dma_start3A_88 = tpu.memref_slice %arg5[%add3A_83, %dma_start3A_87] : memref<8192x128xf32, #tpu.memory_space<hbm>> -> memref<64x128xf32, #tpu.memory_space<hbm>>
    %dma_start3A_89 = arith.constant 0 : i32
    %dma_start3A_90 = tpu.memref_slice %arg5[%add3A_83, %dma_start3A_89] : memref<8192x128xf32, #tpu.memory_space<hbm>> -> memref<64x128xf32, #tpu.memory_space<hbm>>
    %dma_start3A_91 = arith.constant 64 : i32
    %dma_start3A_92 = arith.constant 0 : i32
    %dma_start3A_93 = tpu.memref_slice %arg7[%dma_start3A_91, %dma_start3A_92] : memref<256x128xf32, #tpu.memory_space<vmem>> -> memref<64x128xf32, #tpu.memory_space<vmem>>
    tpu.enqueue_dma source(%dma_start3A_93 : memref<64x128xf32, #tpu.memory_space<vmem>>) target(%dma_start3A_90 : memref<64x128xf32, #tpu.memory_space<hbm>>) target_semaphore(%arg13 : memref<!tpu.dma_semaphore, #tpu.memory_space<semaphore_mem>>)
    %add3A_94 = arith.constant 4096 : i32
    %add3A_95 = arith.addi %add3A_94, %mul3A_2 : i32
    %dma_start3A_96 = arith.constant 128 : i32
    %dma_start3A_97 = arith.constant 0 : i32
    %dma_start3A_98 = tpu.memref_slice %arg7[%dma_start3A_96, %dma_start3A_97] : memref<256x128xf32, #tpu.memory_space<vmem>> -> memref<64x128xf32, #tpu.memory_space<vmem>>
    %dma_start3A_99 = arith.constant 0 : i32
    %dma_start3A_100 = tpu.memref_slice %arg5[%add3A_95, %dma_start3A_99] : memref<8192x128xf32, #tpu.memory_space<hbm>> -> memref<64x128xf32, #tpu.memory_space<hbm>>
    %dma_start3A_101 = arith.constant 0 : i32
    %dma_start3A_102 = tpu.memref_slice %arg5[%add3A_95, %dma_start3A_101] : memref<8192x128xf32, #tpu.memory_space<hbm>> -> memref<64x128xf32, #tpu.memory_space<hbm>>
    %dma_start3A_103 = arith.constant 128 : i32
    %dma_start3A_104 = arith.constant 0 : i32
    %dma_start3A_105 = tpu.memref_slice %arg7[%dma_start3A_103, %dma_start3A_104] : memref<256x128xf32, #tpu.memory_space<vmem>> -> memref<64x128xf32, #tpu.memory_space<vmem>>
    tpu.enqueue_dma source(%dma_start3A_105 : memref<64x128xf32, #tpu.memory_space<vmem>>) target(%dma_start3A_102 : memref<64x128xf32, #tpu.memory_space<hbm>>) target_semaphore(%arg13 : memref<!tpu.dma_semaphore, #tpu.memory_space<semaphore_mem>>)
    %add3A_106 = arith.constant 6144 : i32
    %add3A_107 = arith.addi %add3A_106, %mul3A_2 : i32
    %dma_start3A_108 = arith.constant 192 : i32
    %dma_start3A_109 = arith.constant 0 : i32
    %dma_start3A_110 = tpu.memref_slice %arg7[%dma_start3A_108, %dma_start3A_109] : memref<256x128xf32, #tpu.memory_space<vmem>> -> memref<64x128xf32, #tpu.memory_space<vmem>>
    %dma_start3A_111 = arith.constant 0 : i32
    %dma_start3A_112 = tpu.memref_slice %arg5[%add3A_107, %dma_start3A_111] : memref<8192x128xf32, #tpu.memory_space<hbm>> -> memref<64x128xf32, #tpu.memory_space<hbm>>
    %dma_start3A_113 = arith.constant 0 : i32
    %dma_start3A_114 = tpu.memref_slice %arg5[%add3A_107, %dma_start3A_113] : memref<8192x128xf32, #tpu.memory_space<hbm>> -> memref<64x128xf32, #tpu.memory_space<hbm>>
    %dma_start3A_115 = arith.constant 192 : i32
    %dma_start3A_116 = arith.constant 0 : i32
    %dma_start3A_117 = tpu.memref_slice %arg7[%dma_start3A_115, %dma_start3A_116] : memref<256x128xf32, #tpu.memory_space<vmem>> -> memref<64x128xf32, #tpu.memory_space<vmem>>
    tpu.enqueue_dma source(%dma_start3A_117 : memref<64x128xf32, #tpu.memory_space<vmem>>) target(%dma_start3A_114 : memref<64x128xf32, #tpu.memory_space<hbm>>) target_semaphore(%arg13 : memref<!tpu.dma_semaphore, #tpu.memory_space<semaphore_mem>>)
    %dma_wait3A_118 = arith.constant 0 : i32
    %dma_wait3A_119 = arith.constant 0 : i32
    %dma_wait3A_120 = tpu.memref_slice %arg7[%dma_wait3A_118, %dma_wait3A_119] : memref<256x128xf32, #tpu.memory_space<vmem>> -> memref<64x128xf32, #tpu.memory_space<vmem>>
    %dma_wait3A_121 = arith.constant 0 : i32
    %dma_wait3A_122 = tpu.memref_slice %arg5[%add3A_71, %dma_wait3A_121] : memref<8192x128xf32, #tpu.memory_space<hbm>> -> memref<64x128xf32, #tpu.memory_space<hbm>>
    %dma_wait3A_123 = arith.constant 0 : i32
    %dma_wait3A_124 = tpu.memref_slice %arg5[%add3A_71, %dma_wait3A_123] : memref<8192x128xf32, #tpu.memory_space<hbm>> -> memref<64x128xf32, #tpu.memory_space<hbm>>
    %dma_wait3A_125 = arith.constant 0 : i32
    %dma_wait3A_126 = arith.constant 0 : i32
    %dma_wait3A_127 = tpu.memref_slice %arg7[%dma_wait3A_125, %dma_wait3A_126] : memref<256x128xf32, #tpu.memory_space<vmem>> -> memref<64x128xf32, #tpu.memory_space<vmem>>
    tpu.wait_dma2 semaphore(%arg13 : memref<!tpu.dma_semaphore, #tpu.memory_space<semaphore_mem>>) src(%dma_wait3A_127 : memref<64x128xf32, #tpu.memory_space<vmem>>) dst(%dma_wait3A_124 : memref<64x128xf32, #tpu.memory_space<hbm>>)
    %dma_wait3A_128 = arith.constant 64 : i32
    %dma_wait3A_129 = arith.constant 0 : i32
    %dma_wait3A_130 = tpu.memref_slice %arg7[%dma_wait3A_128, %dma_wait3A_129] : memref<256x128xf32, #tpu.memory_space<vmem>> -> memref<64x128xf32, #tpu.memory_space<vmem>>
    %dma_wait3A_131 = arith.constant 0 : i32
    %dma_wait3A_132 = tpu.memref_slice %arg5[%add3A_83, %dma_wait3A_131] : memref<8192x128xf32, #tpu.memory_space<hbm>> -> memref<64x128xf32, #tpu.memory_space<hbm>>
    %dma_wait3A_133 = arith.constant 0 : i32
    %dma_wait3A_134 = tpu.memref_slice %arg5[%add3A_83, %dma_wait3A_133] : memref<8192x128xf32, #tpu.memory_space<hbm>> -> memref<64x128xf32, #tpu.memory_space<hbm>>
    %dma_wait3A_135 = arith.constant 64 : i32
    %dma_wait3A_136 = arith.constant 0 : i32
    %dma_wait3A_137 = tpu.memref_slice %arg7[%dma_wait3A_135, %dma_wait3A_136] : memref<256x128xf32, #tpu.memory_space<vmem>> -> memref<64x128xf32, #tpu.memory_space<vmem>>
    tpu.wait_dma2 semaphore(%arg13 : memref<!tpu.dma_semaphore, #tpu.memory_space<semaphore_mem>>) src(%dma_wait3A_137 : memref<64x128xf32, #tpu.memory_space<vmem>>) dst(%dma_wait3A_134 : memref<64x128xf32, #tpu.memory_space<hbm>>)
    %dma_wait3A_138 = arith.constant 128 : i32
    %dma_wait3A_139 = arith.constant 0 : i32
    %dma_wait3A_140 = tpu.memref_slice %arg7[%dma_wait3A_138, %dma_wait3A_139] : memref<256x128xf32, #tpu.memory_space<vmem>> -> memref<64x128xf32, #tpu.memory_space<vmem>>
    %dma_wait3A_141 = arith.constant 0 : i32
    %dma_wait3A_142 = tpu.memref_slice %arg5[%add3A_95, %dma_wait3A_141] : memref<8192x128xf32, #tpu.memory_space<hbm>> -> memref<64x128xf32, #tpu.memory_space<hbm>>
    %dma_wait3A_143 = arith.constant 0 : i32
    %dma_wait3A_144 = tpu.memref_slice %arg5[%add3A_95, %dma_wait3A_143] : memref<8192x128xf32, #tpu.memory_space<hbm>> -> memref<64x128xf32, #tpu.memory_space<hbm>>
    %dma_wait3A_145 = arith.constant 128 : i32
    %dma_wait3A_146 = arith.constant 0 : i32
    %dma_wait3A_147 = tpu.memref_slice %arg7[%dma_wait3A_145, %dma_wait3A_146] : memref<256x128xf32, #tpu.memory_space<vmem>> -> memref<64x128xf32, #tpu.memory_space<vmem>>
    tpu.wait_dma2 semaphore(%arg13 : memref<!tpu.dma_semaphore, #tpu.memory_space<semaphore_mem>>) src(%dma_wait3A_147 : memref<64x128xf32, #tpu.memory_space<vmem>>) dst(%dma_wait3A_144 : memref<64x128xf32, #tpu.memory_space<hbm>>)
    %dma_wait3A_148 = arith.constant 192 : i32
    %dma_wait3A_149 = arith.constant 0 : i32
    %dma_wait3A_150 = tpu.memref_slice %arg7[%dma_wait3A_148, %dma_wait3A_149] : memref<256x128xf32, #tpu.memory_space<vmem>> -> memref<64x128xf32, #tpu.memory_space<vmem>>
    %dma_wait3A_151 = arith.constant 0 : i32
    %dma_wait3A_152 = tpu.memref_slice %arg5[%add3A_107, %dma_wait3A_151] : memref<8192x128xf32, #tpu.memory_space<hbm>> -> memref<64x128xf32, #tpu.memory_space<hbm>>
    %dma_wait3A_153 = arith.constant 0 : i32
    %dma_wait3A_154 = tpu.memref_slice %arg5[%add3A_107, %dma_wait3A_153] : memref<8192x128xf32, #tpu.memory_space<hbm>> -> memref<64x128xf32, #tpu.memory_space<hbm>>
    %dma_wait3A_155 = arith.constant 192 : i32
    %dma_wait3A_156 = arith.constant 0 : i32
    %dma_wait3A_157 = tpu.memref_slice %arg7[%dma_wait3A_155, %dma_wait3A_156] : memref<256x128xf32, #tpu.memory_space<vmem>> -> memref<64x128xf32, #tpu.memory_space<vmem>>
    tpu.wait_dma2 semaphore(%arg13 : memref<!tpu.dma_semaphore, #tpu.memory_space<semaphore_mem>>) src(%dma_wait3A_157 : memref<64x128xf32, #tpu.memory_space<vmem>>) dst(%dma_wait3A_154 : memref<64x128xf32, #tpu.memory_space<hbm>>)
    return
  }
}

</mosaic_0001>

<sc_bundles>
// kernel: kernel.3.cloned.1.call-start
scs
__scs_entry_jumppad:
0x0: {  	(pc) =	sbr.rel $0x88, $3  }
0x1: {  	(tag) =	ssettag $0x0;
	lr =	simm.s32 $0x1  }
0x2: {  	[smem:$0x3F9E] =	sst lr;
	_ =	strace $0xD0000000  }
0x3: {  	_ = 	snop  }
0x4: {  	_ = 	snop  }
0x5: {  	_ = 	snop  }
0x6: {  	_ = 	snop  }
0x7: {  	_ = 	snop  }
__scs_overlays_trampoline_lowered:
0x8: {  	[smem:$0x3FAD] =	sst s0  }
0x9: {  	[smem:$0x3FAE] =	sst s1  }
0xa: {  	[smem:$0x3FAF] =	sst s2  }
0xb: {  	[smem:$0x3FB0] =	sst s3  }
0xc: {  	[smem:$0x3FB1] =	sst s4  }
0xd: {  	[smem:$0x3FB2] =	sst s5  }
0xe: {  	[smem:$0x3FB3] =	sst s6  }
0xf: {  	[smem:$0x3FB4] =	sst s7  }
0x10: {  	[smem:$0x3FB5] =	sst s8  }
0x11: {  	[smem:$0x3FB6] =	sst s9;
	s0 =	simm.s32 @!p0 $0x0  }
0x12: {  	s1 =	sld [smem:$0x3F9C];
	s0 =	simm.s32 @p0 $0x1  }
0x13: {  	[smem:$0x3FB7] =	sst s0;
	s0 =	simm.s32 @!p1 $0x0  }
0x14: {  	s2 =	sld [smem:$0x3F9B];
	s0 =	simm.s32 @p1 $0x1  }
0x15: {  	[smem:$0x3FB8] =	sst s0;
	s0 =	simm.s32 @!p2 $0x0  }
0x16: {  	s3 =	sld [smem:$0x3FDB];
	s0 =	simm.s32 @p2 $0x1  }
0x17: {  	s4 =	simm.s32 $0x1BF5;
	[smem:$0x3FBA] =	sst s0  }
0x18: {  	s0 =	sld [smem:$0x3F9D];
	_ =	swait.ge [sflag:s4], $0x0  }
0x19: {  	s7 =	sld [smem:$0x3F9E]  }
0x1a: {  	s8 =	sadd.s32 $0xFFFFE003, lr  }
0x1b: {  	s9 =	sadd.s32 $0xFFFFFEF7, lr;
	s5 =	simm.s32 $0xFFFFFFFF;
	p2 =	slt.u32 s8, $0xFFFFF086  }
0x1c: {  	p1 =	slt.u32 s9, $0xF7A;
	s5 =	simm.s32 @!p2 $0x0  }
0x1d: {  	s5 =	simm.s32 @p1 $0x1;
	p0 =	seq.s32 s7, s2  }
0x1e: {  	s7 =	smul.u32 @!p0 $0xF7A, s2;
	p2 =	seq.s32 @!p0 s5, $0x0  }
0x1f: {  	s9 =	smul.u32 $0xF7A, s1;
	s8 =	simm.s32 @!p0 $0x1BF5;
	p2 =	por !p2, p0  }
0x20: {  	[sflag:s8] =	ssyncset.s32 @!p0 $0xFFFFF086;
	s6 =	sadd.s32 @!p0 s3, s7;
	s7 =	simm.s32 @!p0 $0x108  }
0x21: {  	s3 =	sadd.s32 s3, s9;
	s6 =	sadd.s32 @!p0 $0x88, s6;
	s7 =	simm.s32 @p2 $0x1082  }
0x22: {  	[simem:s7], [sflag:s8] =	dma.local @!p0 [hbm:s6], $0xF7A  }
0x23: {  	s9 =	sor.u32 $0xD0000000, s2;
	s6 =	simm.s32 $0x108;
	_ =	swait.ge @!p0 [sflag:s8], $0x0  }
0x24: {  	s3 =	sadd.s32 $0x88, s3;
	s6 =	simm.s32 @!p1 $0x1082;
	[sflag:s4] =	ssyncset.s32 $0xFFFFF086  }
0x25: {  	[simem:s6], [sflag:s4] =	dma.local [hbm:s3], $0xF7A  }
0x26: {  	[smem:$0x3F9E] =	sst s1;
	(tag) =	ssettag s2;
	_ =	strace s9  }
0x27: {  	s1 =	sld [smem:$0x3FAE]  }
0x28: {  	s2 =	sld [smem:$0x3FAF]  }
0x29: {  	s4 =	sld [smem:$0x3FB1]  }
0x2a: {  	p0 =	seq.s32 s5, $0x0;
	s5 =	sld [smem:$0x3FB2]  }
0x2b: {  	s6 =	sld [smem:$0x3FB3]  }
0x2c: {  	s7 =	sld [smem:$0x3FB4]  }
0x2d: {  	s3 =	simm.s32 $0x108;
	s8 =	sld [smem:$0x3FB5]  }
0x2e: {  	s3 =	simm.s32 @!p0 $0x1082;
	s9 =	sld [smem:$0x3FB6]  }
0x2f: {  	lr =	sadd.s32 s0, s3;
	s0 =	sld [smem:$0x3FAD]  }
0x30: {  	s3 =	sld [smem:$0x3FB0]  }
0x31: {  	[smem:$0x3FB9] =	sst s10  }
0x32: {  	s10 =	sld [smem:$0x3FB7];
	_ =	sdelay $0x3  }
0x33: {  	p0 =	seq.s32 s10, $0x1;
	s10 =	sld [smem:$0x3FB9];
	_ =	sdelay $0x3  }
0x34: {  	[smem:$0x3FB9] =	sst s10  }
0x35: {  	s10 =	sld [smem:$0x3FB8];
	_ =	sdelay $0x3  }
0x36: {  	p1 =	seq.s32 s10, $0x1;
	s10 =	sld [smem:$0x3FB9];
	_ =	sdelay $0x3  }
0x37: {  	[smem:$0x3FB9] =	sst s10  }
0x38: {  	s10 =	sld [smem:$0x3FBA]  }
0x39: {  	_ = 	snop;
	(pc) =	sbr.ind lr, $3  }
0x3a: {  	_ = 	snop  }
0x3b: {  	_ = 	snop  }
0x3c: {  	p2 =	seq.s32 s10, $0x1;
	s10 =	sld [smem:$0x3FB9]  }
0x3d: {  	_ =	shalt  }
0x3e: {  	_ =	shalt  }
0x3f: {  	_ =	shalt  }
0x40: {  	_ =	shalt  }
0x41: {  	_ =	shalt  }
0x42: {  	_ =	shalt  }
0x43: {  	_ =	shalt  }
0x44: {  	_ =	shalt  }
0x45: {  	_ =	shalt  }
0x46: {  	_ =	shalt  }
0x47: {  	_ =	shalt  }
0x48: {  	_ =	shalt  }
0x49: {  	_ =	shalt  }
0x4a: {  	_ =	shalt  }
0x4b: {  	_ =	shalt  }
0x4c: {  	_ =	shalt  }
0x4d: {  	_ =	shalt  }
0x4e: {  	_ =	shalt  }
0x4f: {  	_ =	shalt  }
0x50: {  	_ =	shalt  }
0x51: {  	_ =	shalt  }
0x52: {  	_ =	shalt  }
0x53: {  	_ =	shalt  }
0x54: {  	_ =	shalt  }
0x55: {  	_ =	shalt  }
0x56: {  	_ =	shalt  }
0x57: {  	_ =	shalt  }
0x58: {  	_ =	shalt  }
0x59: {  	_ =	shalt  }
0x5a: {  	_ =	shalt  }
0x5b: {  	_ =	shalt  }
0x5c: {  	_ =	shalt  }
0x5d: {  	_ =	shalt  }
0x5e: {  	_ =	shalt  }
0x5f: {  	_ =	shalt  }
0x60: {  	_ =	shalt  }
0x61: {  	_ =	shalt  }
0x62: {  	_ =	shalt  }
0x63: {  	_ =	shalt  }
0x64: {  	_ =	shalt  }
0x65: {  	_ =	shalt  }
0x66: {  	_ =	shalt  }
0x67: {  	_ =	shalt  }
0x68: {  	_ =	shalt  }
0x69: {  	_ =	shalt  }
0x6a: {  	_ =	shalt  }
0x6b: {  	_ =	shalt  }
0x6c: {  	_ =	shalt  }
0x6d: {  	_ =	shalt  }
0x6e: {  	_ =	shalt  }
0x6f: {  	_ =	shalt  }
0x70: {  	_ =	shalt  }
0x71: {  	_ =	shalt  }
0x72: {  	_ =	shalt  }
0x73: {  	_ =	shalt  }
0x74: {  	_ =	shalt  }
0x75: {  	_ =	shalt  }
0x76: {  	_ =	shalt  }
0x77: {  	_ =	shalt  }
0x78: {  	_ =	shalt  }
0x79: {  	_ =	shalt  }
0x7a: {  	_ =	shalt  }
0x7b: {  	_ =	shalt  }
0x7c: {  	_ =	shalt  }
0x7d: {  	_ =	shalt  }
0x7e: {  	_ =	shalt  }
0x7f: {  	_ =	shalt  }
0x80: {  	_ =	shalt  }
0x81: {  	_ =	shalt  }
0x82: {  	_ =	shalt  }
0x83: {  	_ =	shalt  }
0x84: {  	_ =	shalt  }
0x85: {  	_ =	shalt  }
0x86: {  	_ =	shalt  }
0x87: {  	_ =	shalt  }
.Lfunc_end0:
.L_simem_size_0:
called_computation_lowered:
.L_overlay_start_0:
0x88: {  	s2 =	sld [smem:$0x3FD9]  }
0x89: {  	s3 =	sld [smem:$0x3FFE];
	_ =	sdelay $0x1  }
0x8a: {  	s1 =	srdreg.scid  }
0x8b: {  	s0 =	sand.u32 $0x1, s1  }
0x8c: {  	s17 =	sshll.u32 s0, $0xA;
	s2 =	sadd.s32 s3, s2  }
0x8d: {  	s2 =	sadd.s32 s2, s17  }
0x8e: {  	[smem:$0x3FC5] =	sst s2  }
0x8f: {  	_ = 	snop  }
0x90: {  	s2 =	sld [smem:$0x3FC8]  }
0x91: {  	s18 =	sld [smem:$0x3FC7]  }
0x92: {  	s4 =	sld [smem:$0x3FD0];
	(tm) =	ssettm $0x1  }
0x93: {  	s5 =	sld [smem:$0x3FFB];
	_ =	sdelay $0x3  }
0x94: {  	_ =	strace s5  }
0x95: {  	s5 =	sld [smem:$0x3FFC];
	_ =	sdelay $0x3  }
0x96: {  	_ =	strace s5  }
0x97: {  	s5 =	sld [smem:$0x3FFD];
	_ =	sdelay $0x3  }
0x98: {  	_ =	strace s5  }
0x99: {  	_ =	strace $0x8FFFFFFF  }
0x9a: {  	s19 =	sld [smem:$0x3FDB];
	_ =	sdelay $0x1  }
0x9b: {  	s6 =	simm.s32 $_scs_section_size  }
0x9c: {  	s7 =	simm.s32 $_size__tile_overlayer_lowered;
	s8 =	simm.s32 $_tile_overlayer_lowered  }
0x9d: {  	s22 =	simm.s32 $0x1BFF;
	s21 =	sshll.u32 s8, $0x1;
	s5 =	sadd.s32 s6, s19  }
0x9e: {  	s9 =	simm.s32 $0x0;
	s20 =	sshll.u32 s7, $0x1;
	s7 =	sadd.s32 s21, s5  }
0x9f: {  	[timem:s9], [sflag:s22] =	dma.local [hbm:s7], s20  }
0xa0: {  	_ =	swait.ge [sflag:s22], s20  }
0xa1: {  	s6 =	ssub.s32 $0x0, s20;
	[sflag:s22] =	ssyncset.done $0x0  }
0xa2: {  	[sflag:s22] =	ssyncadd.s32 s6;
	_ =	sdelay $0x1  }
0xa3: {  	s23 =	simm.s32 $0x1B8B  }
0xa4: {  	_ =	swait.ge [sflag:s23], $0x1  }
0xa5: {  	[sflag:s23] =	ssyncset.done $0x0  }
0xa6: {  	s25 =	simm.s32 $0x1B8E;
	s24 =	sld [smem:$0x3FFE];
	[sflag:s23] =	ssyncadd.s32 $0xFFFFFFFF  }
0xa7: {  	s26 =	simm.s32 $execute0_lowered;
	[smem:$0x3FD2] =	sst s25  }
0xa8: {  	s7 =	sshll.u32 s26, $0x1;
	_ =	strace $0x80000046;
	[dreg:$0x1] =	wrdreg $0xFFFFFFFF  }
0xa9: {  	s28 =	simm.s32 $_size_execute0_lowered;
	s5 =	sadd.s32 s5, s7;
	[dreg:$0x0] =	wrdreg $0x0  }
0xaa: {  	s7 =	sshll.u32 s28, $0x1;
	[dreg:$0x2] =	wrdreg s5  }
0xab: {  	[dreg:$0x3] =	wrdreg s7  }
0xac: {  	[dreg:$0x4] =	wrdreg $0xC0  }
0xad: {  	_ =	task [dreg:s9], $0x5FFFF  }
0xae: {  	[dreg:$0x1] =	wrdreg $0xFFFFFFFF  }
0xaf: {  	[dreg:$0x0] =	wrdreg $0x60  }
0xb0: {  	[dreg:$0x2] =	wrdreg s24  }
0xb1: {  	[dreg:$0x3] =	wrdreg s2  }
0xb2: {  	[dreg:$0x4] =	wrdreg s18  }
0xb3: {  	[dreg:$0x5] =	wrdreg s4  }
0xb4: {  	[dreg:$0x6] =	wrdreg $0x9  }
0xb5: {  	_ =	task.clear_ibuf [dreg:s9], $0x7FFFF;
	_ =	strace $0x90000046  }
0xb6: {  	s29 =	simm.s32 $0x9;
	_ =	strace $0x80000048  }
0xb7: {  	_ =	swait.ge [sflag:s29], $0x1  }
0xb8: {  	[sflag:s29] =	ssyncadd.s32 $0xFFFFFFFF  }
0xb9: {  	_ =	strace $0x90000048  }
0xba: {  	_ =	sfence  }
0xbb: {  	s30 =	sld [smem:$0x0];
	_ =	sdelay $0x2  }
0xbc: {  	s31 =	sshll.u32 s1, $0xD;
	s1 =	sshrl.u32 s1, $0x2  }
0xbd: {  	s3 =	sand.u32 $0x4000, s31;
	s1 =	sadd.s32 s1, s30  }
0xbe: {  	s0 =	sor.u32 s3, s0;
	s1 =	sshll.u32 s1, $0x11  }
0xbf: {  	s0 =	sor.u32 s1, s0  }
0xc0: {  	s0 =	sadd.s32 $0x8F2B, s0  }
0xc1: {  	[sflag:s0] =	ssyncadd.remote.s32 $0x1  }
0xc2: {  	_ =	sfence.sel $0xFFFF  }
0xc3: {  	[dreg:$0x0] =	wrdreg $0xFFFFFFFF;
	(pc) =	sbr.abs _section_cstart, $3  }
0xc4: {  	[dreg:$0x1] =	wrdreg $0xFFFFFFFF  }
0xc5: {  	_ =	task.clear_ibuf [dreg:s9], $0x2FFFF;
	_ =	strace $0x9FFFFFFF  }
0xc6: {  	(tm) =	ssettm $0x7FFFFFFF  }
0xc7: {  	_ =	shalt  }
tec
execute0_lowered:
.L_overlay_start_1:
0x0: {  	(tag) =	ssettag $0x1  }
0x1: {  	s4 =	rddreg [dreg:$0x0]  }
0x2: {  	s1 =	rddreg [dreg:$0x1]  }
0x3: {  	s6 =	rddreg [dreg:$0x2]  }
0x4: {  	s5 =	rddreg [dreg:$0x3]  }
0x5: {  	s0 =	rddreg [dreg:$0x4]  }
0x6: {  	s3 =	simm.s32 $0x0;
	s7 =	srdreg.scid;
	s2 =	stileid.u32  }
0x7: {  	s11 =	simm.s32 $0x8100;
	s12 =	simm.s32 $0x1;
	s13 =	simm.s32 $0x80  }
0x8: {  	s14 =	simm.s32 $0x100;
	s15 =	simm.s32 $0x4100;
	s16 =	simm.s32 $0x2  }
0x9: {  	s17 =	simm.s32 $0x3;
	s18 =	simm.s32 $0x4;
	s19 =	simm.s32 $0x2100  }
0xa: {  	s20 =	simm.s32 $0x6100;
	s21 =	simm.s32 $0x5;
	s22 =	simm.s32 $0x0  }
0xb: {  	[smem:$0x7FF] =	sst s3;
	s7 =	sand.u32 $0x1, s7;
	s8 =	sshll.u32 s2, $0x1  }
0xc: {  	_ =	strace $0x80000047;
	s8 =	sor.u32 s7, s8;
	s7 =	ssub.s32 $0x2, s7  }
0xd: {  	s9 =	sshll.u32 s8, $0x5;
	s10 =	sshrl.u32 s7, $0x1;
	s8 =	sshll.u32 s8, $0xA  }
0xe: {  	s9 =	sadd.s32 s9, s4;
	s10 =	ssub.s32 s7, s10;
	s4 =	sadd.s32 s5, s8  }
0xf: {  	s6 =	sadd.s32 s6, s8;
	s5 =	sadd.s32 $0x400, s9;
	s7 =	sadd.s32 $0x8000, s4  }
0x10: {  	s8 =	sadd.s32 $0x10000, s4;
	s9 =	sadd.s32 $0x18000, s4;
	s10 =	smax.u32 s10, $0x1  }
.LBB2_1:
0x11: {  	[tilespmem:s3], [sflag:$0x1] =	stream.linear.gather [hbm4b:s5+s3], $0x100, $0x38;
	[tilespmem:$0xA100] =	vst v63  }
0x12: {  	_ = 	snop  }
0x13: {  	[tilespmem:s11], [sflag:$0x2] =	stream.linear.gather [hbm4b:s6+s3], $0x2000, $0x38;
	[tilespmem:$0xA100] =	vst v63  }
0x14: {  	_ =	swait.ge [sflag:s12], $0x100  }
0x15: {  	[sflag:s12] =	ssyncset.done $0x0  }
0x16: {  	[sflag:s12] =	ssyncadd.s32 $0xFFFFFF00  }
0x17: {  	[tilespmem:s14], [sflag:$0x3] =	stream.indirect.gather [hbm4b:s1+s13], $0x80, s3, s13, $0xb8;
	[tilespmem:$0xA100] =	vst v63  }
0x18: {  	_ = 	snop  }
0x19: {  	[tilespmem:s15], [sflag:$0x4] =	stream.indirect.gather [hbm4b:s1+s13], $0x80, s13, s13, $0xb8;
	[tilespmem:$0xA100] =	vst v63  }
0x1a: {  	_ =	swait.ge [sflag:s16], $0x2000  }
0x1b: {  	[sflag:s16] =	ssyncset.done $0x0  }
0x1c: {  	[sflag:s16] =	ssyncadd.s32 $0xFFFFE000  }
0x1d: {  	_ =	swait.ge [sflag:s17], $0x4000  }
0x1e: {  	[sflag:s17] =	ssyncset.done $0x0  }
0x1f: {  	[sflag:s17] =	ssyncadd.s32 $0xFFFFC000  }
0x20: {  	_ =	swait.ge [sflag:s18], $0x4000  }
0x21: {  	[sflag:s18] =	ssyncset.done $0x0  }
0x22: {  	s23 =	simm.s32 $0x0;
	s24 =	simm.s32 $0x200;
	[sflag:s18] =	ssyncadd.s32 $0xFFFFC000  }
.LBB2_2:
0x23: {  	p0 =	sne.s32 s24, $0x7E00;
	v0 =	vld [tilespmem:s23+$0x8170]  }
0x24: {  	v1 =	vld [tilespmem:s23+$0x8100]  }
0x25: {  	v2 =	vld [tilespmem:s23+$0x8110]  }
0x26: {  	v3 =	vld [tilespmem:s23+$0x8120]  }
0x27: {  	v4 =	vld [tilespmem:s23+$0x8130]  }
0x28: {  	[tilespmem:s23+$0x6170] =	vst.add.f32.msk $0xffff, v0  }
0x29: {  	v5 =	vld [tilespmem:s23+$0x8140]  }
0x2a: {  	v6 =	vld [tilespmem:s23+$0x8150]  }
0x2b: {  	v7 =	vld [tilespmem:s23+$0x8160]  }
0x2c: {  	[tilespmem:s23+$0x100] =	vst.add.f32.msk $0xffff, v1  }
0x2d: {  	[tilespmem:s23+$0x2100] =	vst.add.f32.msk $0xffff, v1  }
0x2e: {  	[tilespmem:s23+$0x4100] =	vst.add.f32.msk $0xffff, v1  }
0x2f: {  	[tilespmem:s23+$0x6100] =	vst.add.f32.msk $0xffff, v1  }
0x30: {  	[tilespmem:s23+$0x110] =	vst.add.f32.msk $0xffff, v2  }
0x31: {  	[tilespmem:s23+$0x2110] =	vst.add.f32.msk $0xffff, v2  }
0x32: {  	[tilespmem:s23+$0x4110] =	vst.add.f32.msk $0xffff, v2  }
0x33: {  	[tilespmem:s23+$0x6110] =	vst.add.f32.msk $0xffff, v2  }
0x34: {  	[tilespmem:s23+$0x120] =	vst.add.f32.msk $0xffff, v3  }
0x35: {  	[tilespmem:s23+$0x2120] =	vst.add.f32.msk $0xffff, v3  }
0x36: {  	[tilespmem:s23+$0x4120] =	vst.add.f32.msk $0xffff, v3  }
0x37: {  	[tilespmem:s23+$0x6120] =	vst.add.f32.msk $0xffff, v3  }
0x38: {  	[tilespmem:s23+$0x130] =	vst.add.f32.msk $0xffff, v4  }
0x39: {  	[tilespmem:s23+$0x2130] =	vst.add.f32.msk $0xffff, v4  }
0x3a: {  	[tilespmem:s23+$0x4130] =	vst.add.f32.msk $0xffff, v4  }
0x3b: {  	[tilespmem:s23+$0x6130] =	vst.add.f32.msk $0xffff, v4  }
0x3c: {  	[tilespmem:s23+$0x140] =	vst.add.f32.msk $0xffff, v5  }
0x3d: {  	[tilespmem:s23+$0x2140] =	vst.add.f32.msk $0xffff, v5  }
0x3e: {  	[tilespmem:s23+$0x4140] =	vst.add.f32.msk $0xffff, v5  }
0x3f: {  	[tilespmem:s23+$0x6140] =	vst.add.f32.msk $0xffff, v5  }
0x40: {  	[tilespmem:s23+$0x150] =	vst.add.f32.msk $0xffff, v6  }
0x41: {  	[tilespmem:s23+$0x2150] =	vst.add.f32.msk $0xffff, v6  }
0x42: {  	[tilespmem:s23+$0x4150] =	vst.add.f32.msk $0xffff, v6  }
0x43: {  	[tilespmem:s23+$0x6150] =	vst.add.f32.msk $0xffff, v6  }
0x44: {  	[tilespmem:s23+$0x160] =	vst.add.f32.msk $0xffff, v7  }
0x45: {  	[tilespmem:s23+$0x2160] =	vst.add.f32.msk $0xffff, v7  }
.Ltmp0:
0x46: {  	[tilespmem:s23+$0x4160] =	vst.add.f32.msk $0xffff, v7;
	(pc) =	sbr.rel @p0 .LBB2_2-.Ltmp0, $4  }
0x47: {  	[tilespmem:s23+$0x6160] =	vst.add.f32.msk $0xffff, v7  }
0x48: {  	[tilespmem:s23+$0x170] =	vst.add.f32.msk $0xffff, v0  }
0x49: {  	[tilespmem:s23+$0x2170] =	vst.add.f32.msk $0xffff, v0  }
0x4a: {  	[tilespmem:s23+$0x4170] =	vst.add.f32.msk $0xffff, v0;
	s23 =	sshra.s32 s24, $0x2;
	s24 =	sadd.s32 $0x200, s24  }
0x4b: {  	v0 =	vld [tilespmem:s23+$0x8170]  }
0x4c: {  	v1 =	vld [tilespmem:s23+$0x8100]  }
0x4d: {  	v2 =	vld [tilespmem:s23+$0x8110]  }
0x4e: {  	v3 =	vld [tilespmem:s23+$0x8120]  }
0x4f: {  	v4 =	vld [tilespmem:s23+$0x8130]  }
0x50: {  	v5 =	vld [tilespmem:s23+$0x8140]  }
0x51: {  	v6 =	vld [tilespmem:s23+$0x8150]  }
0x52: {  	v7 =	vld [tilespmem:s23+$0x8160]  }
0x53: {  	[tilespmem:s23+$0x6170] =	vst.add.f32.msk $0xffff, v0  }
0x54: {  	[tilespmem:s23+$0x100] =	vst.add.f32.msk $0xffff, v1  }
0x55: {  	[tilespmem:s23+$0x2100] =	vst.add.f32.msk $0xffff, v1  }
0x56: {  	[tilespmem:s23+$0x4100] =	vst.add.f32.msk $0xffff, v1  }
0x57: {  	[tilespmem:s23+$0x6100] =	vst.add.f32.msk $0xffff, v1  }
0x58: {  	[tilespmem:s23+$0x110] =	vst.add.f32.msk $0xffff, v2  }
0x59: {  	[tilespmem:s23+$0x2110] =	vst.add.f32.msk $0xffff, v2  }
0x5a: {  	[tilespmem:s23+$0x4110] =	vst.add.f32.msk $0xffff, v2  }
0x5b: {  	[tilespmem:s23+$0x6110] =	vst.add.f32.msk $0xffff, v2  }
0x5c: {  	[tilespmem:s23+$0x120] =	vst.add.f32.msk $0xffff, v3  }
0x5d: {  	[tilespmem:s23+$0x2120] =	vst.add.f32.msk $0xffff, v3  }
0x5e: {  	[tilespmem:s23+$0x4120] =	vst.add.f32.msk $0xffff, v3  }
0x5f: {  	[tilespmem:s23+$0x6120] =	vst.add.f32.msk $0xffff, v3  }
0x60: {  	[tilespmem:s23+$0x130] =	vst.add.f32.msk $0xffff, v4  }
0x61: {  	[tilespmem:s23+$0x2130] =	vst.add.f32.msk $0xffff, v4  }
0x62: {  	[tilespmem:s23+$0x4130] =	vst.add.f32.msk $0xffff, v4  }
0x63: {  	[tilespmem:s23+$0x6130] =	vst.add.f32.msk $0xffff, v4  }
0x64: {  	[tilespmem:s23+$0x140] =	vst.add.f32.msk $0xffff, v5  }
0x65: {  	[tilespmem:s23+$0x2140] =	vst.add.f32.msk $0xffff, v5  }
0x66: {  	[tilespmem:s23+$0x4140] =	vst.add.f32.msk $0xffff, v5  }
0x67: {  	[tilespmem:s23+$0x6140] =	vst.add.f32.msk $0xffff, v5  }
0x68: {  	[tilespmem:s23+$0x150] =	vst.add.f32.msk $0xffff, v6  }
0x69: {  	[tilespmem:s23+$0x2150] =	vst.add.f32.msk $0xffff, v6  }
0x6a: {  	[tilespmem:s23+$0x4150] =	vst.add.f32.msk $0xffff, v6  }
0x6b: {  	[tilespmem:s23+$0x6150] =	vst.add.f32.msk $0xffff, v6  }
0x6c: {  	[tilespmem:s23+$0x160] =	vst.add.f32.msk $0xffff, v7  }
0x6d: {  	[tilespmem:s23+$0x2160] =	vst.add.f32.msk $0xffff, v7  }
0x6e: {  	[tilespmem:s23+$0x4160] =	vst.add.f32.msk $0xffff, v7  }
0x6f: {  	[tilespmem:s23+$0x6160] =	vst.add.f32.msk $0xffff, v7  }
0x70: {  	[tilespmem:s23+$0x170] =	vst.add.f32.msk $0xffff, v0  }
0x71: {  	[tilespmem:s23+$0x2170] =	vst.add.f32.msk $0xffff, v0  }
0x72: {  	[tilespmem:s23+$0x4170] =	vst.add.f32.msk $0xffff, v0  }
0x73: {  	[hbm4b:s4+s3] =	stream.linear.scatter [tilespmem:s14], [sflag:$0x5], $0x2000, $0x38;
	[tilespmem:$0xA100] =	vst v63  }
0x74: {  	_ = 	snop  }
0x75: {  	[hbm4b:s7+s3] =	stream.linear.scatter [tilespmem:s19], [sflag:$0x5], $0x2000, $0x38;
	[tilespmem:$0xA100] =	vst v63  }
0x76: {  	_ = 	snop  }
0x77: {  	[hbm4b:s8+s3] =	stream.linear.scatter [tilespmem:s15], [sflag:$0x5], $0x2000, $0x38;
	[tilespmem:$0xA100] =	vst v63  }
0x78: {  	_ = 	snop  }
0x79: {  	[hbm4b:s9+s3] =	stream.linear.scatter [tilespmem:s20], [sflag:$0x5], $0x2000, $0x38;
	[tilespmem:$0xA100] =	vst v63  }
0x7a: {  	_ =	swait.ge [sflag:s21], $0x2000  }
0x7b: {  	[sflag:s21] =	ssyncset.done $0x0  }
0x7c: {  	[sflag:s21] =	ssyncadd.s32 $0xFFFFE000  }
0x7d: {  	_ =	swait.ge [sflag:s21], $0x2000  }
0x7e: {  	[sflag:s21] =	ssyncset.done $0x0  }
0x7f: {  	s22 =	sadd.s32 $0x1, s22;
	[sflag:s21] =	ssyncadd.s32 $0xFFFFE000  }
0x80: {  	p0 =	sne.s32 s22, s10;
	_ =	swait.ge [sflag:s21], $0x2000  }
.Ltmp1:
0x81: {  	[sflag:s21] =	ssyncset.done $0x0;
	(pc) =	sbr.rel @p0 .LBB2_1-.Ltmp1, $4  }
0x82: {  	[sflag:s21] =	ssyncadd.s32 $0xFFFFE000  }
0x83: {  	_ =	swait.ge [sflag:s21], $0x2000  }
0x84: {  	[sflag:s21] =	ssyncset.done $0x0  }
0x85: {  	[sflag:s21] =	ssyncadd.s32 $0xFFFFE000  }
0x86: {  	_ =	sfence.sel $0x180000  }
0x87: {  	[bflag:$0x0] =	sbarrier.arrive $0xFFFF  }
0x88: {  	p0 =	sne.s32 s2, $0x0;
	_ =	strace $0x90000047  }
0x89: {  	s0 =	sadd.s32 @!p0 $0x100000, s0;
	[bflag:$0x2] =	sbarrier.arrive $0xFFFF  }
0x8a: {  	[sflag:s0] =	ssyncadd.tile.s32 @!p0 $0x1;
	_ =	shalt  }
.Lfunc_end2:
_tile_overlayer_lowered:
.L_overlay_start_2:
0x8b: {  	(tag) =	ssettag $0x2  }
0x8c: {  	s0 =	rddreg [dreg:$0x0];
	s2 =	stileid.u32  }
0x8d: {  	s1 =	rddreg [dreg:$0x1];
	p0 =	sne.s32 s2, $0x0  }
0x8e: {  	s3 =	rddreg [dreg:$0x2];
	[bflag:$0x3] =	sbarrier.arrive $0xFFFF;
	s2 =	simm.s32 @!p0 $0x1C06  }
0x8f: {  	[timem:s3], [sflag:s2] =	dma.local @!p0 [hbm:s0], s1  }
0x90: {  	s0 =	simm.s32 @!p0 $0x6  }
0x91: {  	_ =	swait.ge @!p0 [sflag:s0], s1  }
0x92: {  	s1 =	ssub.s32 @!p0 $0x0, s1;
	[sflag:s0] =	ssyncset.done @!p0 $0x0  }
0x93: {  	[sflag:s0] =	ssyncadd.s32 @!p0 s1  }
0x94: {  	[bflag:$0x3] =	sbarrier.arrive $0xFFFF  }
0x95: {  	_ =	shalt  }

</sc_bundles>
